<compile_context>
chip_gen: v7x
topology: tpu7x:2x2x1
jax: 0.10.2.dev20260603
libtpu: 0.0.44.dev20260713+nightly
codegen_flags: <defaults>
</compile_context>

<pallas_src>
import jax
import jax.numpy as jnp
from jax import lax
from jax.experimental import pallas as pl
from jax.experimental.pallas import tpu as pltpu
from jax.experimental.pallas import tpu_sc as plsc

_BATCH = 16384
_NS = 16
_L = 16
_PER_TILE = _BATCH // _NS


def _recall_body(yt_hbm, yp_hbm, out_hbm, yt_v, yp_v, acc_v, cnt_smem, sem1, sem2):
    s = lax.axis_index("s")
    base = s * _PER_TILE

    cp1 = pltpu.async_copy(yt_hbm.at[pl.ds(base, _PER_TILE)], yt_v, sem1)
    cp2 = pltpu.async_copy(yp_hbm.at[pl.ds(base, _PER_TILE)], yp_v, sem2)

    @pl.when(s == 0)
    def _():
        cnt_smem[0] = jnp.int32(0)

    plsc.subcore_barrier()
    cp1.wait()
    cp2.wait()

    def body(i, acc):
        a = yt_v[pl.ds(i * _L, _L)]
        b = yp_v[pl.ds(i * _L, _L)]
        return acc + jnp.where(a == b, jnp.int32(1), jnp.int32(0))

    acc = lax.fori_loop(
        0, _PER_TILE // _L, body, jnp.zeros((_L,), jnp.int32), unroll=8
    )
    sc = acc[0]
    for t in range(1, _L):
        sc = sc + acc[t]
    plsc.fetch_and_add(cnt_smem.at[0], sc, subcore_id=0)
    plsc.subcore_barrier()

    @pl.when(s == 0)
    def _():
        total = cnt_smem[0]
        acc_v[...] = (
            jnp.full((_L,), total, jnp.int32).astype(jnp.float32) * (1.0 / _BATCH)
        )
        pltpu.sync_copy(acc_v, out_hbm)


@jax.jit
def _recall_call(y_true, y_pred):
    mesh = plsc.VectorSubcoreMesh(
        core_axis_name="c", subcore_axis_name="s", num_cores=1
    )
    out = pl.kernel(
        _recall_body,
        out_type=jax.ShapeDtypeStruct((_L,), jnp.float32),
        mesh=mesh,
        scratch_types=[
            pltpu.VMEM((_PER_TILE,), jnp.int32),
            pltpu.VMEM((_PER_TILE,), jnp.int32),
            pltpu.VMEM((_L,), jnp.float32),
            pltpu.SMEM((1,), jnp.int32),
            pltpu.SemaphoreType.DMA,
            pltpu.SemaphoreType.DMA,
        ],
    )(y_true, y_pred)
    return out


def kernel(y_true, y_pred):
    return _recall_call(y_true.astype(jnp.int32), y_pred.astype(jnp.int32))

# --- scband reference (transcript-rebuilt; emitter-appended) ---
"""Pipeline reference for scband-recall-49555332661406 (READ-ONLY COPY).

The authoritative reference and input builder live on the scoring server;
editing this copy changes nothing except your own understanding.
"""

import jax, jax.numpy as jnp
import numpy as np

NUM_CLASSES = 1000
BATCH = 16384

def one_hot_encode(y, num_classes):
    # scatter-overwrite one-hot, matching torch.zeros(...).scatter_(1, y.unsqueeze(1), 1)
    oh = jnp.zeros((y.shape[0], num_classes), dtype=jnp.float32)
    oh = oh.at[jnp.arange(y.shape[0]), y].set(1.0)
    return oh

def setup_inputs(seed: int = 0) -> dict:
    key = jax.random.key(seed)
    k1, k2 = jax.random.split(key)
    y_true = jax.random.randint(k1, (BATCH,), 0, NUM_CLASSES, dtype=jnp.int64 if jax.config.jax_enable_x64 else jnp.int32)
    y_pred = jax.random.randint(k2, (BATCH,), 0, NUM_CLASSES, dtype=jnp.int64 if jax.config.jax_enable_x64 else jnp.int32)
    return {"y_true": y_true, "y_pred": y_pred}

def reference(y_true, y_pred):
    true_onehot = one_hot_encode(y_true, NUM_CLASSES)
    pred_onehot = one_hot_encode(y_pred, NUM_CLASSES)
    true_positives = (true_onehot * pred_onehot).sum()
    # pred_onehot[true_onehot.bool()] selects, per row, the pred one-hot value at the true class
    selected = jnp.take_along_axis(pred_onehot, y_true[:, None], axis=1)[:, 0]
    false_negatives = jnp.sum(~selected.astype(bool))
    recall = true_positives / (true_positives + false_negatives)
    return recall

if __name__ == "__main__":
    import jax
    _d = setup_inputs()
    print(jax.jit(kernel)(*tuple(_d.values())))

</pallas_src>

<mosaic_0001>
#map = affine_map<(d0, d1) -> (0)>
module attributes {stable_mosaic.version = 14 : i64} {
  func.func @_recall_body(%arg0: i32, %arg1: i32, %arg2: memref<16384xi32, #tpu.memory_space<hbm>>, %arg3: memref<16384xi32, #tpu.memory_space<hbm>>, %arg4: memref<16xf32, #tpu.memory_space<hbm>>, %arg5: memref<1024xi32, #tpu.memory_space<vmem>>, %arg6: memref<1024xi32, #tpu.memory_space<vmem>>, %arg7: memref<16xf32, #tpu.memory_space<vmem>>, %arg8: memref<1xi32, #tpu.memory_space<smem>>, %arg9: memref<!tpu.dma_semaphore, #tpu.memory_space<semaphore_mem>>, %arg10: memref<!tpu.dma_semaphore, #tpu.memory_space<semaphore_mem>>) attributes {dimension_semantics = [#tpu.dimension_semantics<core_parallel>, #tpu.dimension_semantics<subcore_parallel>], iteration_bounds = array<i64: 1, 16>, scalar_prefetch = 0 : i64, scratch_operands = 6 : i64, tpu.core_type = #tpu.core_type<sc_vector_subcore>, window_params = [{transform_indices = #map}, {transform_indices = #map}, {transform_indices = #map}]} {
    %mul3A = arith.constant 1024 : i32
    %mul3A_0 = arith.muli %arg1, %mul3A : i32
    %dma_start3A = tpu.memref_slice %arg2[%mul3A_0] : memref<16384xi32, #tpu.memory_space<hbm>> -> memref<1024xi32, #tpu.memory_space<hbm>>
    %dma_start3A_1 = tpu.memref_slice %arg2[%mul3A_0] : memref<16384xi32, #tpu.memory_space<hbm>> -> memref<1024xi32, #tpu.memory_space<hbm>>
    tpu.enqueue_dma source(%dma_start3A_1 : memref<1024xi32, #tpu.memory_space<hbm>>) target(%arg5 : memref<1024xi32, #tpu.memory_space<vmem>>) target_semaphore(%arg9 : memref<!tpu.dma_semaphore, #tpu.memory_space<semaphore_mem>>)
    %dma_start3A_2 = tpu.memref_slice %arg3[%mul3A_0] : memref<16384xi32, #tpu.memory_space<hbm>> -> memref<1024xi32, #tpu.memory_space<hbm>>
    %dma_start3A_3 = tpu.memref_slice %arg3[%mul3A_0] : memref<16384xi32, #tpu.memory_space<hbm>> -> memref<1024xi32, #tpu.memory_space<hbm>>
    tpu.enqueue_dma source(%dma_start3A_3 : memref<1024xi32, #tpu.memory_space<hbm>>) target(%arg6 : memref<1024xi32, #tpu.memory_space<vmem>>) target_semaphore(%arg10 : memref<!tpu.dma_semaphore, #tpu.memory_space<semaphore_mem>>)
    %eq3A = arith.constant 0 : i32
    %eq3A_4 = arith.cmpi eq, %arg1, %eq3A : i32
    %convert_element_type3A = arith.extui %eq3A_4 : i1 to i32
    %cond3A = arith.constant 0 : i32
    %cond3A_5 = arith.cmpi ne, %convert_element_type3A, %cond3A : i32
    scf.if %cond3A_5 {
      %swap3A = arith.constant 0 : i32
      %swap3A_67 = arith.constant 0 : i32
      %swap3A_68 = arith.index_cast %swap3A_67 : i32 to index
      %swap3A_69 = memref.load %arg8[%swap3A_68] : memref<1xi32, #tpu.memory_space<smem>>
      memref.store %swap3A, %arg8[%swap3A_68] : memref<1xi32, #tpu.memory_space<smem>>
    } else {
    }
    %barrier3A = arith.constant 0 : index
    tpu.barrier barrier_id(%barrier3A)
    %dma_wait3A = tpu.memref_slice %arg2[%mul3A_0] : memref<16384xi32, #tpu.memory_space<hbm>> -> memref<1024xi32, #tpu.memory_space<hbm>>
    %dma_wait3A_6 = tpu.memref_slice %arg2[%mul3A_0] : memref<16384xi32, #tpu.memory_space<hbm>> -> memref<1024xi32, #tpu.memory_space<hbm>>
    tpu.wait_dma2 semaphore(%arg9 : memref<!tpu.dma_semaphore, #tpu.memory_space<semaphore_mem>>) src(%dma_wait3A_6 : memref<1024xi32, #tpu.memory_space<hbm>>) dst(%arg5 : memref<1024xi32, #tpu.memory_space<vmem>>)
    %dma_wait3A_7 = tpu.memref_slice %arg3[%mul3A_0] : memref<16384xi32, #tpu.memory_space<hbm>> -> memref<1024xi32, #tpu.memory_space<hbm>>
    %dma_wait3A_8 = tpu.memref_slice %arg3[%mul3A_0] : memref<16384xi32, #tpu.memory_space<hbm>> -> memref<1024xi32, #tpu.memory_space<hbm>>
    tpu.wait_dma2 semaphore(%arg10 : memref<!tpu.dma_semaphore, #tpu.memory_space<semaphore_mem>>) src(%dma_wait3A_8 : memref<1024xi32, #tpu.memory_space<hbm>>) dst(%arg6 : memref<1024xi32, #tpu.memory_space<vmem>>)
    %broadcast_in_dim3A = arith.constant 0 : i32
    %broadcast_in_dim3A_9 = vector.broadcast %broadcast_in_dim3A : i32 to vector<16xi32>
    %scan3A = arith.constant 0 : i32
    %scan3A_10 = arith.constant 64 : i32
    %scan3A_11 = arith.addi %scan3A, %scan3A_10 : i32
    %scan3A_12 = arith.constant 8 : i32
    %scan3A_13 = scf.for %scan3A_67 = %scan3A to %scan3A_11 step %scan3A_12 iter_args(%scan3A_68 = %broadcast_in_dim3A_9) -> (vector<16xi32>)  : i32 {
      %mul3A_69 = arith.constant 16 : i32
      %mul3A_70 = arith.muli %scan3A_67, %mul3A_69 : i32
      %get3A = arith.index_cast %mul3A_70 : i32 to index
      %get3A_71 = tpu.vector_load %arg5[%get3A] {strides = array<i32>} : memref<1024xi32, #tpu.memory_space<vmem>>, vector<16xi32>,
      %get3A_72 = vector.shape_cast %get3A_71 : vector<16xi32> to vector<16xi32>
      %mul3A_73 = arith.constant 16 : i32
      %mul3A_74 = arith.muli %scan3A_67, %mul3A_73 : i32
      %get3A_75 = arith.index_cast %mul3A_74 : i32 to index
      %get3A_76 = tpu.vector_load %arg6[%get3A_75] {strides = array<i32>} : memref<1024xi32, #tpu.memory_space<vmem>>, vector<16xi32>,
      %get3A_77 = vector.shape_cast %get3A_76 : vector<16xi32> to vector<16xi32>
      %eq3A_78 = arith.cmpi eq, %get3A_72, %get3A_77 : vector<16xi32>
      %jit3A = arith.constant 1 : i32
      %jit3A_79 = arith.constant 0 : i32
      %broadcast_in_dim3A_80 = vector.broadcast %jit3A : i32 to vector<16xi32>
      %broadcast_in_dim3A_81 = vector.broadcast %jit3A_79 : i32 to vector<16xi32>
      %select_n3A = arith.select %eq3A_78, %broadcast_in_dim3A_80, %broadcast_in_dim3A_81 : vector<16xi1>, vector<16xi32>
      %add3A_82 = arith.addi %scan3A_68, %select_n3A : vector<16xi32>
      %scan3A_83 = arith.constant 1 : i32
      %scan3A_84 = arith.addi %scan3A_67, %scan3A_83 : i32
      %mul3A_85 = arith.constant 16 : i32
      %mul3A_86 = arith.muli %scan3A_84, %mul3A_85 : i32
      %get3A_87 = arith.index_cast %mul3A_86 : i32 to index
      %get3A_88 = tpu.vector_load %arg5[%get3A_87] {strides = array<i32>} : memref<1024xi32, #tpu.memory_space<vmem>>, vector<16xi32>,
      %get3A_89 = vector.shape_cast %get3A_88 : vector<16xi32> to vector<16xi32>
      %mul3A_90 = arith.constant 16 : i32
      %mul3A_91 = arith.muli %scan3A_84, %mul3A_90 : i32
      %get3A_92 = arith.index_cast %mul3A_91 : i32 to index
      %get3A_93 = tpu.vector_load %arg6[%get3A_92] {strides = array<i32>} : memref<1024xi32, #tpu.memory_space<vmem>>, vector<16xi32>,
      %get3A_94 = vector.shape_cast %get3A_93 : vector<16xi32> to vector<16xi32>
      %eq3A_95 = arith.cmpi eq, %get3A_89, %get3A_94 : vector<16xi32>
      %jit3A_96 = arith.constant 1 : i32
      %jit3A_97 = arith.constant 0 : i32
      %broadcast_in_dim3A_98 = vector.broadcast %jit3A_96 : i32 to vector<16xi32>
      %broadcast_in_dim3A_99 = vector.broadcast %jit3A_97 : i32 to vector<16xi32>
      %select_n3A_100 = arith.select %eq3A_95, %broadcast_in_dim3A_98, %broadcast_in_dim3A_99 : vector<16xi1>, vector<16xi32>
      %add3A_101 = arith.addi %add3A_82, %select_n3A_100 : vector<16xi32>
      %scan3A_102 = arith.constant 2 : i32
      %scan3A_103 = arith.addi %scan3A_67, %scan3A_102 : i32
      %mul3A_104 = arith.constant 16 : i32
      %mul3A_105 = arith.muli %scan3A_103, %mul3A_104 : i32
      %get3A_106 = arith.index_cast %mul3A_105 : i32 to index
      %get3A_107 = tpu.vector_load %arg5[%get3A_106] {strides = array<i32>} : memref<1024xi32, #tpu.memory_space<vmem>>, vector<16xi32>,
      %get3A_108 = vector.shape_cast %get3A_107 : vector<16xi32> to vector<16xi32>
      %mul3A_109 = arith.constant 16 : i32
      %mul3A_110 = arith.muli %scan3A_103, %mul3A_109 : i32
      %get3A_111 = arith.index_cast %mul3A_110 : i32 to index
      %get3A_112 = tpu.vector_load %arg6[%get3A_111] {strides = array<i32>} : memref<1024xi32, #tpu.memory_space<vmem>>, vector<16xi32>,
      %get3A_113 = vector.shape_cast %get3A_112 : vector<16xi32> to vector<16xi32>
      %eq3A_114 = arith.cmpi eq, %get3A_108, %get3A_113 : vector<16xi32>
      %jit3A_115 = arith.constant 1 : i32
      %jit3A_116 = arith.constant 0 : i32
      %broadcast_in_dim3A_117 = vector.broadcast %jit3A_115 : i32 to vector<16xi32>
      %broadcast_in_dim3A_118 = vector.broadcast %jit3A_116 : i32 to vector<16xi32>
      %select_n3A_119 = arith.select %eq3A_114, %broadcast_in_dim3A_117, %broadcast_in_dim3A_118 : vector<16xi1>, vector<16xi32>
      %add3A_120 = arith.addi %add3A_101, %select_n3A_119 : vector<16xi32>
      %scan3A_121 = arith.constant 3 : i32
      %scan3A_122 = arith.addi %scan3A_67, %scan3A_121 : i32
      %mul3A_123 = arith.constant 16 : i32
      %mul3A_124 = arith.muli %scan3A_122, %mul3A_123 : i32
      %get3A_125 = arith.index_cast %mul3A_124 : i32 to index
      %get3A_126 = tpu.vector_load %arg5[%get3A_125] {strides = array<i32>} : memref<1024xi32, #tpu.memory_space<vmem>>, vector<16xi32>,
      %get3A_127 = vector.shape_cast %get3A_126 : vector<16xi32> to vector<16xi32>
      %mul3A_128 = arith.constant 16 : i32
      %mul3A_129 = arith.muli %scan3A_122, %mul3A_128 : i32
      %get3A_130 = arith.index_cast %mul3A_129 : i32 to index
      %get3A_131 = tpu.vector_load %arg6[%get3A_130] {strides = array<i32>} : memref<1024xi32, #tpu.memory_space<vmem>>, vector<16xi32>,
      %get3A_132 = vector.shape_cast %get3A_131 : vector<16xi32> to vector<16xi32>
      %eq3A_133 = arith.cmpi eq, %get3A_127, %get3A_132 : vector<16xi32>
      %jit3A_134 = arith.constant 1 : i32
      %jit3A_135 = arith.constant 0 : i32
      %broadcast_in_dim3A_136 = vector.broadcast %jit3A_134 : i32 to vector<16xi32>
      %broadcast_in_dim3A_137 = vector.broadcast %jit3A_135 : i32 to vector<16xi32>
      %select_n3A_138 = arith.select %eq3A_133, %broadcast_in_dim3A_136, %broadcast_in_dim3A_137 : vector<16xi1>, vector<16xi32>
      %add3A_139 = arith.addi %add3A_120, %select_n3A_138 : vector<16xi32>
      %scan3A_140 = arith.constant 4 : i32
      %scan3A_141 = arith.addi %scan3A_67, %scan3A_140 : i32
      %mul3A_142 = arith.constant 16 : i32
      %mul3A_143 = arith.muli %scan3A_141, %mul3A_142 : i32
      %get3A_144 = arith.index_cast %mul3A_143 : i32 to index
      %get3A_145 = tpu.vector_load %arg5[%get3A_144] {strides = array<i32>} : memref<1024xi32, #tpu.memory_space<vmem>>, vector<16xi32>,
      %get3A_146 = vector.shape_cast %get3A_145 : vector<16xi32> to vector<16xi32>
      %mul3A_147 = arith.constant 16 : i32
      %mul3A_148 = arith.muli %scan3A_141, %mul3A_147 : i32
      %get3A_149 = arith.index_cast %mul3A_148 : i32 to index
      %get3A_150 = tpu.vector_load %arg6[%get3A_149] {strides = array<i32>} : memref<1024xi32, #tpu.memory_space<vmem>>, vector<16xi32>,
      %get3A_151 = vector.shape_cast %get3A_150 : vector<16xi32> to vector<16xi32>
      %eq3A_152 = arith.cmpi eq, %get3A_146, %get3A_151 : vector<16xi32>
      %jit3A_153 = arith.constant 1 : i32
      %jit3A_154 = arith.constant 0 : i32
      %broadcast_in_dim3A_155 = vector.broadcast %jit3A_153 : i32 to vector<16xi32>
      %broadcast_in_dim3A_156 = vector.broadcast %jit3A_154 : i32 to vector<16xi32>
      %select_n3A_157 = arith.select %eq3A_152, %broadcast_in_dim3A_155, %broadcast_in_dim3A_156 : vector<16xi1>, vector<16xi32>
      %add3A_158 = arith.addi %add3A_139, %select_n3A_157 : vector<16xi32>
      %scan3A_159 = arith.constant 5 : i32
      %scan3A_160 = arith.addi %scan3A_67, %scan3A_159 : i32
      %mul3A_161 = arith.constant 16 : i32
      %mul3A_162 = arith.muli %scan3A_160, %mul3A_161 : i32
      %get3A_163 = arith.index_cast %mul3A_162 : i32 to index
      %get3A_164 = tpu.vector_load %arg5[%get3A_163] {strides = array<i32>} : memref<1024xi32, #tpu.memory_space<vmem>>, vector<16xi32>,
      %get3A_165 = vector.shape_cast %get3A_164 : vector<16xi32> to vector<16xi32>
      %mul3A_166 = arith.constant 16 : i32
      %mul3A_167 = arith.muli %scan3A_160, %mul3A_166 : i32
      %get3A_168 = arith.index_cast %mul3A_167 : i32 to index
      %get3A_169 = tpu.vector_load %arg6[%get3A_168] {strides = array<i32>} : memref<1024xi32, #tpu.memory_space<vmem>>, vector<16xi32>,
      %get3A_170 = vector.shape_cast %get3A_169 : vector<16xi32> to vector<16xi32>
      %eq3A_171 = arith.cmpi eq, %get3A_165, %get3A_170 : vector<16xi32>
      %jit3A_172 = arith.constant 1 : i32
      %jit3A_173 = arith.constant 0 : i32
      %broadcast_in_dim3A_174 = vector.broadcast %jit3A_172 : i32 to vector<16xi32>
      %broadcast_in_dim3A_175 = vector.broadcast %jit3A_173 : i32 to vector<16xi32>
      %select_n3A_176 = arith.select %eq3A_171, %broadcast_in_dim3A_174, %broadcast_in_dim3A_175 : vector<16xi1>, vector<16xi32>
      %add3A_177 = arith.addi %add3A_158, %select_n3A_176 : vector<16xi32>
      %scan3A_178 = arith.constant 6 : i32
      %scan3A_179 = arith.addi %scan3A_67, %scan3A_178 : i32
      %mul3A_180 = arith.constant 16 : i32
      %mul3A_181 = arith.muli %scan3A_179, %mul3A_180 : i32
      %get3A_182 = arith.index_cast %mul3A_181 : i32 to index
      %get3A_183 = tpu.vector_load %arg5[%get3A_182] {strides = array<i32>} : memref<1024xi32, #tpu.memory_space<vmem>>, vector<16xi32>,
      %get3A_184 = vector.shape_cast %get3A_183 : vector<16xi32> to vector<16xi32>
      %mul3A_185 = arith.constant 16 : i32
      %mul3A_186 = arith.muli %scan3A_179, %mul3A_185 : i32
      %get3A_187 = arith.index_cast %mul3A_186 : i32 to index
      %get3A_188 = tpu.vector_load %arg6[%get3A_187] {strides = array<i32>} : memref<1024xi32, #tpu.memory_space<vmem>>, vector<16xi32>,
      %get3A_189 = vector.shape_cast %get3A_188 : vector<16xi32> to vector<16xi32>
      %eq3A_190 = arith.cmpi eq, %get3A_184, %get3A_189 : vector<16xi32>
      %jit3A_191 = arith.constant 1 : i32
      %jit3A_192 = arith.constant 0 : i32
      %broadcast_in_dim3A_193 = vector.broadcast %jit3A_191 : i32 to vector<16xi32>
      %broadcast_in_dim3A_194 = vector.broadcast %jit3A_192 : i32 to vector<16xi32>
      %select_n3A_195 = arith.select %eq3A_190, %broadcast_in_dim3A_193, %broadcast_in_dim3A_194 : vector<16xi1>, vector<16xi32>
      %add3A_196 = arith.addi %add3A_177, %select_n3A_195 : vector<16xi32>
      %scan3A_197 = arith.constant 7 : i32
      %scan3A_198 = arith.addi %scan3A_67, %scan3A_197 : i32
      %mul3A_199 = arith.constant 16 : i32
      %mul3A_200 = arith.muli %scan3A_198, %mul3A_199 : i32
      %get3A_201 = arith.index_cast %mul3A_200 : i32 to index
      %get3A_202 = tpu.vector_load %arg5[%get3A_201] {strides = array<i32>} : memref<1024xi32, #tpu.memory_space<vmem>>, vector<16xi32>,
      %get3A_203 = vector.shape_cast %get3A_202 : vector<16xi32> to vector<16xi32>
      %mul3A_204 = arith.constant 16 : i32
      %mul3A_205 = arith.muli %scan3A_198, %mul3A_204 : i32
      %get3A_206 = arith.index_cast %mul3A_205 : i32 to index
      %get3A_207 = tpu.vector_load %arg6[%get3A_206] {strides = array<i32>} : memref<1024xi32, #tpu.memory_space<vmem>>, vector<16xi32>,
      %get3A_208 = vector.shape_cast %get3A_207 : vector<16xi32> to vector<16xi32>
      %eq3A_209 = arith.cmpi eq, %get3A_203, %get3A_208 : vector<16xi32>
      %jit3A_210 = arith.constant 1 : i32
      %jit3A_211 = arith.constant 0 : i32
      %broadcast_in_dim3A_212 = vector.broadcast %jit3A_210 : i32 to vector<16xi32>
      %broadcast_in_dim3A_213 = vector.broadcast %jit3A_211 : i32 to vector<16xi32>
      %select_n3A_214 = arith.select %eq3A_209, %broadcast_in_dim3A_212, %broadcast_in_dim3A_213 : vector<16xi1>, vector<16xi32>
      %add3A_215 = arith.addi %add3A_196, %select_n3A_214 : vector<16xi32>
      scf.yield %add3A_215 : vector<16xi32>
    }
    %scan3A_14 = arith.constant 64 : i32
    %slice3A = vector.extract_strided_slice %scan3A_13 {offsets = [0], sizes = [1], strides = [1]} : vector<16xi32> to vector<1xi32>
    %squeeze3A = vector.extract %slice3A[0] : i32 from vector<1xi32>
    %slice3A_15 = vector.extract_strided_slice %scan3A_13 {offsets = [1], sizes = [1], strides = [1]} : vector<16xi32> to vector<1xi32>
    %squeeze3A_16 = vector.extract %slice3A_15[0] : i32 from vector<1xi32>
    %add3A = arith.addi %squeeze3A, %squeeze3A_16 : i32
    %slice3A_17 = vector.extract_strided_slice %scan3A_13 {offsets = [2], sizes = [1], strides = [1]} : vector<16xi32> to vector<1xi32>
    %squeeze3A_18 = vector.extract %slice3A_17[0] : i32 from vector<1xi32>
    %add3A_19 = arith.addi %add3A, %squeeze3A_18 : i32
    %slice3A_20 = vector.extract_strided_slice %scan3A_13 {offsets = [3], sizes = [1], strides = [1]} : vector<16xi32> to vector<1xi32>
    %squeeze3A_21 = vector.extract %slice3A_20[0] : i32 from vector<1xi32>
    %add3A_22 = arith.addi %add3A_19, %squeeze3A_21 : i32
    %slice3A_23 = vector.extract_strided_slice %scan3A_13 {offsets = [4], sizes = [1], strides = [1]} : vector<16xi32> to vector<1xi32>
    %squeeze3A_24 = vector.extract %slice3A_23[0] : i32 from vector<1xi32>
    %add3A_25 = arith.addi %add3A_22, %squeeze3A_24 : i32
    %slice3A_26 = vector.extract_strided_slice %scan3A_13 {offsets = [5], sizes = [1], strides = [1]} : vector<16xi32> to vector<1xi32>
    %squeeze3A_27 = vector.extract %slice3A_26[0] : i32 from vector<1xi32>
    %add3A_28 = arith.addi %add3A_25, %squeeze3A_27 : i32
    %slice3A_29 = vector.extract_strided_slice %scan3A_13 {offsets = [6], sizes = [1], strides = [1]} : vector<16xi32> to vector<1xi32>
    %squeeze3A_30 = vector.extract %slice3A_29[0] : i32 from vector<1xi32>
    %add3A_31 = arith.addi %add3A_28, %squeeze3A_30 : i32
    %slice3A_32 = vector.extract_strided_slice %scan3A_13 {offsets = [7], sizes = [1], strides = [1]} : vector<16xi32> to vector<1xi32>
    %squeeze3A_33 = vector.extract %slice3A_32[0] : i32 from vector<1xi32>
    %add3A_34 = arith.addi %add3A_31, %squeeze3A_33 : i32
    %slice3A_35 = vector.extract_strided_slice %scan3A_13 {offsets = [8], sizes = [1], strides = [1]} : vector<16xi32> to vector<1xi32>
    %squeeze3A_36 = vector.extract %slice3A_35[0] : i32 from vector<1xi32>
    %add3A_37 = arith.addi %add3A_34, %squeeze3A_36 : i32
    %slice3A_38 = vector.extract_strided_slice %scan3A_13 {offsets = [9], sizes = [1], strides = [1]} : vector<16xi32> to vector<1xi32>
    %squeeze3A_39 = vector.extract %slice3A_38[0] : i32 from vector<1xi32>
    %add3A_40 = arith.addi %add3A_37, %squeeze3A_39 : i32
    %slice3A_41 = vector.extract_strided_slice %scan3A_13 {offsets = [10], sizes = [1], strides = [1]} : vector<16xi32> to vector<1xi32>
    %squeeze3A_42 = vector.extract %slice3A_41[0] : i32 from vector<1xi32>
    %add3A_43 = arith.addi %add3A_40, %squeeze3A_42 : i32
    %slice3A_44 = vector.extract_strided_slice %scan3A_13 {offsets = [11], sizes = [1], strides = [1]} : vector<16xi32> to vector<1xi32>
    %squeeze3A_45 = vector.extract %slice3A_44[0] : i32 from vector<1xi32>
    %add3A_46 = arith.addi %add3A_43, %squeeze3A_45 : i32
    %slice3A_47 = vector.extract_strided_slice %scan3A_13 {offsets = [12], sizes = [1], strides = [1]} : vector<16xi32> to vector<1xi32>
    %squeeze3A_48 = vector.extract %slice3A_47[0] : i32 from vector<1xi32>
    %add3A_49 = arith.addi %add3A_46, %squeeze3A_48 : i32
    %slice3A_50 = vector.extract_strided_slice %scan3A_13 {offsets = [13], sizes = [1], strides = [1]} : vector<16xi32> to vector<1xi32>
    %squeeze3A_51 = vector.extract %slice3A_50[0] : i32 from vector<1xi32>
    %add3A_52 = arith.addi %add3A_49, %squeeze3A_51 : i32
    %slice3A_53 = vector.extract_strided_slice %scan3A_13 {offsets = [14], sizes = [1], strides = [1]} : vector<16xi32> to vector<1xi32>
    %squeeze3A_54 = vector.extract %slice3A_53[0] : i32 from vector<1xi32>
    %add3A_55 = arith.addi %add3A_52, %squeeze3A_54 : i32
    %slice3A_56 = vector.extract_strided_slice %scan3A_13 {offsets = [15], sizes = [1], strides = [1]} : vector<16xi32> to vector<1xi32>
    %squeeze3A_57 = vector.extract %slice3A_56[0] : i32 from vector<1xi32>
    %add3A_58 = arith.addi %add3A_55, %squeeze3A_57 : i32
    %sc_fetch_and_add3A = arith.constant 0 : i32
    %sc_fetch_and_add3A_59 = arith.constant 0 : i32
    %sc_fetch_and_add3A_60 = tpu.fetch_and_add_sync %arg8[%sc_fetch_and_add3A], %add3A_58, %sc_fetch_and_add3A_59 : memref<1xi32, #tpu.memory_space<smem>>, i32 -> i32
    %barrier3A_61 = arith.constant 0 : index
    tpu.barrier barrier_id(%barrier3A_61)
    %eq3A_62 = arith.constant 0 : i32
    %eq3A_63 = arith.cmpi eq, %arg1, %eq3A_62 : i32
    %convert_element_type3A_64 = arith.extui %eq3A_63 : i1 to i32
    %cond3A_65 = arith.constant 0 : i32
    %cond3A_66 = arith.cmpi ne, %convert_element_type3A_64, %cond3A_65 : i32
    scf.if %cond3A_66 {
      %get3A = arith.constant 0 : i32
      %get3A_67 = arith.index_cast %get3A : i32 to index
      %get3A_68 = memref.load %arg8[%get3A_67] : memref<1xi32, #tpu.memory_space<smem>>
      %broadcast_in_dim3A_69 = vector.broadcast %get3A_68 : i32 to vector<16xi32>
      %convert_element_type3A_70 = arith.sitofp %broadcast_in_dim3A_69 : vector<16xi32> to vector<16xf32>
      %mul3A_71 = arith.constant 6.10351563E-5 : f32
      %mul3A_72 = vector.broadcast %mul3A_71 : f32 to vector<16xf32>
      %mul3A_73 = arith.mulf %convert_element_type3A_70, %mul3A_72 : vector<16xf32>
      %swap3A = arith.constant 0 : index
      %swap3A_74 = tpu.vector_load %arg7[%swap3A] {strides = array<i32>} : memref<16xf32, #tpu.memory_space<vmem>>, vector<16xf32>,
      %swap3A_75 = vector.shape_cast %swap3A_74 : vector<16xf32> to vector<16xf32>
      %swap3A_76 = vector.shape_cast %mul3A_73 : vector<16xf32> to vector<16xf32>
      tpu.vector_store %arg7[%swap3A], %swap3A_76 {strides = array<i32>} : memref<16xf32, #tpu.memory_space<vmem>>, vector<16xf32>,
      "tpu.region"() ({
        %run_scoped3A = tpu.sem_alloc : memref<!tpu.dma_semaphore, #tpu.memory_space<semaphore_mem>>
        tpu.enqueue_dma source(%arg7 : memref<16xf32, #tpu.memory_space<vmem>>) target(%arg4 : memref<16xf32, #tpu.memory_space<hbm>>) target_semaphore(%run_scoped3A : memref<!tpu.dma_semaphore, #tpu.memory_space<semaphore_mem>>)
        tpu.wait_dma2 semaphore(%run_scoped3A : memref<!tpu.dma_semaphore, #tpu.memory_space<semaphore_mem>>) src(%arg7 : memref<16xf32, #tpu.memory_space<vmem>>) dst(%arg4 : memref<16xf32, #tpu.memory_space<hbm>>)
        tpu.yield
      }) : () -> ()
    } else {
    }
    return
  }
}

</mosaic_0001>

<sc_bundles>
// kernel: _recall_call.3.cloned.1.call-start
scs
__scs_entry_jumppad:
0x0: {  	(pc) =	sbr.rel $0x88, $3  }
0x1: {  	(tag) =	ssettag $0x0;
	lr =	simm.s32 $0x1  }
0x2: {  	[smem:$0x3F9F] =	sst lr;
	_ =	strace $0xD0000000  }
0x3: {  	_ = 	snop  }
0x4: {  	_ = 	snop  }
0x5: {  	_ = 	snop  }
0x6: {  	_ = 	snop  }
0x7: {  	_ = 	snop  }
__scs_overlays_trampoline_lowered:
0x8: {  	[smem:$0x3FAE] =	sst s0  }
0x9: {  	[smem:$0x3FAF] =	sst s1  }
0xa: {  	[smem:$0x3FB0] =	sst s2  }
0xb: {  	[smem:$0x3FB1] =	sst s3  }
0xc: {  	[smem:$0x3FB2] =	sst s4  }
0xd: {  	[smem:$0x3FB3] =	sst s5  }
0xe: {  	[smem:$0x3FB4] =	sst s6  }
0xf: {  	[smem:$0x3FB5] =	sst s7  }
0x10: {  	[smem:$0x3FB6] =	sst s8  }
0x11: {  	[smem:$0x3FB7] =	sst s9;
	s0 =	simm.s32 @!p0 $0x0  }
0x12: {  	s1 =	sld [smem:$0x3F9D];
	s0 =	simm.s32 @p0 $0x1  }
0x13: {  	[smem:$0x3FB8] =	sst s0;
	s0 =	simm.s32 @!p1 $0x0  }
0x14: {  	s2 =	sld [smem:$0x3F9C];
	s0 =	simm.s32 @p1 $0x1  }
0x15: {  	[smem:$0x3FB9] =	sst s0;
	s0 =	simm.s32 @!p2 $0x0  }
0x16: {  	s3 =	sld [smem:$0x3FDB];
	s0 =	simm.s32 @p2 $0x1  }
0x17: {  	s4 =	simm.s32 $0x1BF5;
	[smem:$0x3FBB] =	sst s0  }
0x18: {  	s0 =	sld [smem:$0x3F9E];
	_ =	swait.ge [sflag:s4], $0x0  }
0x19: {  	s7 =	sld [smem:$0x3F9F]  }
0x1a: {  	s8 =	sadd.s32 $0xFFFFE003, lr  }
0x1b: {  	s9 =	sadd.s32 $0xFFFFFEF7, lr;
	s5 =	simm.s32 $0xFFFFFFFF;
	p2 =	slt.u32 s8, $0xFFFFF086  }
0x1c: {  	p1 =	slt.u32 s9, $0xF7A;
	s5 =	simm.s32 @!p2 $0x0  }
0x1d: {  	s5 =	simm.s32 @p1 $0x1;
	p0 =	seq.s32 s7, s2  }
0x1e: {  	s7 =	smul.u32 @!p0 $0xF7A, s2;
	p2 =	seq.s32 @!p0 s5, $0x0  }
0x1f: {  	s9 =	smul.u32 $0xF7A, s1;
	s8 =	simm.s32 @!p0 $0x1BF5;
	p2 =	por !p2, p0  }
0x20: {  	[sflag:s8] =	ssyncset.s32 @!p0 $0xFFFFF086;
	s6 =	sadd.s32 @!p0 s3, s7;
	s7 =	simm.s32 @!p0 $0x108  }
0x21: {  	s3 =	sadd.s32 s3, s9;
	s6 =	sadd.s32 @!p0 $0x88, s6;
	s7 =	simm.s32 @p2 $0x1082  }
0x22: {  	[simem:s7], [sflag:s8] =	dma.local @!p0 [hbm:s6], $0xF7A  }
0x23: {  	s9 =	sor.u32 $0xD0000000, s2;
	s6 =	simm.s32 $0x108;
	_ =	swait.ge @!p0 [sflag:s8], $0x0  }
0x24: {  	s3 =	sadd.s32 $0x88, s3;
	s6 =	simm.s32 @!p1 $0x1082;
	[sflag:s4] =	ssyncset.s32 $0xFFFFF086  }
0x25: {  	[simem:s6], [sflag:s4] =	dma.local [hbm:s3], $0xF7A  }
0x26: {  	[smem:$0x3F9F] =	sst s1;
	(tag) =	ssettag s2;
	_ =	strace s9  }
0x27: {  	s1 =	sld [smem:$0x3FAF]  }
0x28: {  	s2 =	sld [smem:$0x3FB0]  }
0x29: {  	s4 =	sld [smem:$0x3FB2]  }
0x2a: {  	p0 =	seq.s32 s5, $0x0;
	s5 =	sld [smem:$0x3FB3]  }
0x2b: {  	s6 =	sld [smem:$0x3FB4]  }
0x2c: {  	s7 =	sld [smem:$0x3FB5]  }
0x2d: {  	s3 =	simm.s32 $0x108;
	s8 =	sld [smem:$0x3FB6]  }
0x2e: {  	s3 =	simm.s32 @!p0 $0x1082;
	s9 =	sld [smem:$0x3FB7]  }
0x2f: {  	lr =	sadd.s32 s0, s3;
	s0 =	sld [smem:$0x3FAE]  }
0x30: {  	s3 =	sld [smem:$0x3FB1]  }
0x31: {  	[smem:$0x3FBA] =	sst s10  }
0x32: {  	s10 =	sld [smem:$0x3FB8];
	_ =	sdelay $0x3  }
0x33: {  	p0 =	seq.s32 s10, $0x1;
	s10 =	sld [smem:$0x3FBA];
	_ =	sdelay $0x3  }
0x34: {  	[smem:$0x3FBA] =	sst s10  }
0x35: {  	s10 =	sld [smem:$0x3FB9];
	_ =	sdelay $0x3  }
0x36: {  	p1 =	seq.s32 s10, $0x1;
	s10 =	sld [smem:$0x3FBA];
	_ =	sdelay $0x3  }
0x37: {  	[smem:$0x3FBA] =	sst s10  }
0x38: {  	s10 =	sld [smem:$0x3FBB]  }
0x39: {  	_ = 	snop;
	(pc) =	sbr.ind lr, $3  }
0x3a: {  	_ = 	snop  }
0x3b: {  	_ = 	snop  }
0x3c: {  	p2 =	seq.s32 s10, $0x1;
	s10 =	sld [smem:$0x3FBA]  }
0x3d: {  	_ =	shalt  }
0x3e: {  	_ =	shalt  }
0x3f: {  	_ =	shalt  }
0x40: {  	_ =	shalt  }
0x41: {  	_ =	shalt  }
0x42: {  	_ =	shalt  }
0x43: {  	_ =	shalt  }
0x44: {  	_ =	shalt  }
0x45: {  	_ =	shalt  }
0x46: {  	_ =	shalt  }
0x47: {  	_ =	shalt  }
0x48: {  	_ =	shalt  }
0x49: {  	_ =	shalt  }
0x4a: {  	_ =	shalt  }
0x4b: {  	_ =	shalt  }
0x4c: {  	_ =	shalt  }
0x4d: {  	_ =	shalt  }
0x4e: {  	_ =	shalt  }
0x4f: {  	_ =	shalt  }
0x50: {  	_ =	shalt  }
0x51: {  	_ =	shalt  }
0x52: {  	_ =	shalt  }
0x53: {  	_ =	shalt  }
0x54: {  	_ =	shalt  }
0x55: {  	_ =	shalt  }
0x56: {  	_ =	shalt  }
0x57: {  	_ =	shalt  }
0x58: {  	_ =	shalt  }
0x59: {  	_ =	shalt  }
0x5a: {  	_ =	shalt  }
0x5b: {  	_ =	shalt  }
0x5c: {  	_ =	shalt  }
0x5d: {  	_ =	shalt  }
0x5e: {  	_ =	shalt  }
0x5f: {  	_ =	shalt  }
0x60: {  	_ =	shalt  }
0x61: {  	_ =	shalt  }
0x62: {  	_ =	shalt  }
0x63: {  	_ =	shalt  }
0x64: {  	_ =	shalt  }
0x65: {  	_ =	shalt  }
0x66: {  	_ =	shalt  }
0x67: {  	_ =	shalt  }
0x68: {  	_ =	shalt  }
0x69: {  	_ =	shalt  }
0x6a: {  	_ =	shalt  }
0x6b: {  	_ =	shalt  }
0x6c: {  	_ =	shalt  }
0x6d: {  	_ =	shalt  }
0x6e: {  	_ =	shalt  }
0x6f: {  	_ =	shalt  }
0x70: {  	_ =	shalt  }
0x71: {  	_ =	shalt  }
0x72: {  	_ =	shalt  }
0x73: {  	_ =	shalt  }
0x74: {  	_ =	shalt  }
0x75: {  	_ =	shalt  }
0x76: {  	_ =	shalt  }
0x77: {  	_ =	shalt  }
0x78: {  	_ =	shalt  }
0x79: {  	_ =	shalt  }
0x7a: {  	_ =	shalt  }
0x7b: {  	_ =	shalt  }
0x7c: {  	_ =	shalt  }
0x7d: {  	_ =	shalt  }
0x7e: {  	_ =	shalt  }
0x7f: {  	_ =	shalt  }
0x80: {  	_ =	shalt  }
0x81: {  	_ =	shalt  }
0x82: {  	_ =	shalt  }
0x83: {  	_ =	shalt  }
0x84: {  	_ =	shalt  }
0x85: {  	_ =	shalt  }
0x86: {  	_ =	shalt  }
0x87: {  	_ =	shalt  }
.Lfunc_end0:
.L_simem_size_0:
called_computation_lowered:
.L_overlay_start_0:
0x88: {  	s0 =	sld [smem:$0x3FD9]  }
0x89: {  	s1 =	sld [smem:$0x3FFE];
	_ =	sdelay $0x3  }
0x8a: {  	s0 =	sadd.s32 s1, s0  }
0x8b: {  	[smem:$0x3FC6] =	sst s0  }
0x8c: {  	_ = 	snop  }
0x8d: {  	s0 =	sld [smem:$0x3FC9]  }
0x8e: {  	s17 =	sld [smem:$0x3FC8]  }
0x8f: {  	s2 =	sld [smem:$0x3FD0];
	(tm) =	ssettm $0x1  }
0x90: {  	s3 =	sld [smem:$0x3FFB];
	_ =	sdelay $0x3  }
0x91: {  	_ =	strace s3  }
0x92: {  	s3 =	sld [smem:$0x3FFC];
	_ =	sdelay $0x3  }
0x93: {  	_ =	strace s3  }
0x94: {  	s3 =	sld [smem:$0x3FFD];
	_ =	sdelay $0x3  }
0x95: {  	_ =	strace s3  }
0x96: {  	_ =	strace $0x8FFFFFFF  }
0x97: {  	s18 =	sld [smem:$0x3FDB];
	_ =	sdelay $0x1  }
0x98: {  	s4 =	simm.s32 $_scs_section_size  }
0x99: {  	s5 =	simm.s32 $_size__tile_overlayer_lowered;
	s6 =	simm.s32 $_tile_overlayer_lowered  }
0x9a: {  	s21 =	simm.s32 $0x1BFF;
	s20 =	sshll.u32 s6, $0x1;
	s3 =	sadd.s32 s4, s18  }
0x9b: {  	s7 =	simm.s32 $0x0;
	s19 =	sshll.u32 s5, $0x1;
	s5 =	sadd.s32 s20, s3  }
0x9c: {  	[timem:s7], [sflag:s21] =	dma.local [hbm:s5], s19  }
0x9d: {  	_ =	swait.ge [sflag:s21], s19  }
0x9e: {  	s4 =	ssub.s32 $0x0, s19;
	[sflag:s21] =	ssyncset.done $0x0  }
0x9f: {  	[sflag:s21] =	ssyncadd.s32 s4;
	_ =	sdelay $0x1  }
0xa0: {  	s22 =	simm.s32 $0x1B8B  }
0xa1: {  	_ =	swait.ge [sflag:s22], $0x1  }
0xa2: {  	[sflag:s22] =	ssyncset.done $0x0  }
0xa3: {  	s23 =	simm.s32 $0x1B8E;
	[sflag:s22] =	ssyncadd.s32 $0xFFFFFFFF  }
0xa4: {  	s24 =	simm.s32 $execute0_lowered;
	[smem:$0x3FD2] =	sst s23  }
0xa5: {  	s4 =	sshll.u32 s24, $0x1;
	_ =	strace $0x80000046;
	[dreg:$0x1] =	wrdreg $0xFFFFFFFF  }
0xa6: {  	s25 =	simm.s32 $_size_execute0_lowered;
	s3 =	sadd.s32 s3, s4;
	[dreg:$0x0] =	wrdreg $0x0  }
0xa7: {  	s4 =	sshll.u32 s25, $0x1;
	[dreg:$0x2] =	wrdreg s3  }
0xa8: {  	[dreg:$0x3] =	wrdreg s4  }
0xa9: {  	[dreg:$0x4] =	wrdreg $0xC0  }
0xaa: {  	_ =	task [dreg:s7], $0x5FFFF  }
0xab: {  	[dreg:$0x1] =	wrdreg $0xFFFFFFFF  }
0xac: {  	[dreg:$0x0] =	wrdreg $0x60  }
0xad: {  	[dreg:$0x2] =	wrdreg s0  }
0xae: {  	[dreg:$0x3] =	wrdreg s17  }
0xaf: {  	[dreg:$0x4] =	wrdreg s2  }
0xb0: {  	[dreg:$0x5] =	wrdreg $0x9  }
0xb1: {  	_ =	task.clear_ibuf [dreg:s7], $0x6FFFF;
	_ =	strace $0x90000046  }
0xb2: {  	s26 =	simm.s32 $0x9;
	_ =	strace $0x80000048  }
0xb3: {  	_ =	swait.ge [sflag:s26], $0x1  }
0xb4: {  	[sflag:s26] =	ssyncadd.s32 $0xFFFFFFFF  }
0xb5: {  	_ =	strace $0x90000048  }
0xb6: {  	_ =	sfence  }
0xb7: {  	s28 =	sld [smem:$0x0];
	_ =	sdelay $0x1  }
0xb8: {  	s29 =	srdreg.scid  }
0xb9: {  	s30 =	sshll.u32 s29, $0xD;
	s31 =	sshrl.u32 s29, $0x2  }
0xba: {  	s1 =	sand.u32 $0x1, s29;
	s2 =	sand.u32 $0x4000, s30;
	s0 =	sadd.s32 s31, s28  }
0xbb: {  	s1 =	sor.u32 s2, s1;
	s0 =	sshll.u32 s0, $0x11  }
0xbc: {  	s0 =	sor.u32 s0, s1  }
0xbd: {  	s0 =	sadd.s32 $0x8F2B, s0  }
0xbe: {  	[sflag:s0] =	ssyncadd.remote.s32 $0x1  }
0xbf: {  	_ =	sfence.sel $0xFFFF  }
0xc0: {  	[dreg:$0x0] =	wrdreg $0xFFFFFFFF;
	(pc) =	sbr.abs _section_cstart, $3  }
0xc1: {  	[dreg:$0x1] =	wrdreg $0xFFFFFFFF  }
0xc2: {  	_ =	task.clear_ibuf [dreg:s7], $0x2FFFF;
	_ =	strace $0x9FFFFFFF  }
0xc3: {  	(tm) =	ssettm $0x7FFFFFFF  }
tec
execute0_lowered:
.L_overlay_start_1:
0x0: {  	(tag) =	ssettag $0x1  }
0x1: {  	s2 =	rddreg [dreg:$0x0]  }
0x2: {  	s3 =	rddreg [dreg:$0x1]  }
0x3: {  	s1 =	rddreg [dreg:$0x2]  }
0x4: {  	s0 =	rddreg [dreg:$0x3];
	s4 =	simm.s32 $0x0;
	s5 =	stileid.u32  }
0x5: {  	[smem:$0x7FF] =	sst s4;
	s6 =	sshll.u32 s5, $0x7  }
0x6: {  	p0 =	sne.s32 s5, $0x0;
	_ =	strace $0x80000047;
	s2 =	sadd.s32 s2, s6  }
0x7: {  	[tilespmem:s4], [sflag:$0x1] =	stream.linear.gather [hbm4b:s2+s4], $0x400, $0x38;
	[tilespmem:$0x880] =	vst v63  }
0x8: {  	s2 =	simm.s32 @!p0 $0x0  }
0x9: {  	s28 =	simm.s32 $0x400;
	s26 =	sadd.s32 s3, s6;
	[smem:$0x0] =	sst @!p0 s2  }
0xa: {  	[tilespmem:s28], [sflag:$0x2] =	stream.linear.gather [hbm4b:s26+s4], $0x400, $0x38;
	[tilespmem:$0x880] =	vst v63  }
0xb: {  	s29 =	simm.s32 $0x1;
	[bflag:$0x0] =	sbarrier.arrive $0xFFFF  }
0xc: {  	_ =	swait.ge [sflag:s29], $0x400  }
0xd: {  	[sflag:s29] =	ssyncset.done $0x0  }
0xe: {  	s30 =	simm.s32 $0x2;
	[sflag:s29] =	ssyncadd.s32 $0xFFFFFC00  }
0xf: {  	_ =	swait.ge [sflag:s30], $0x400  }
0x10: {  	[sflag:s30] =	ssyncset.done $0x0  }
0x11: {  	s31 =	simm.s32 $0x40;
	[sflag:s30] =	ssyncadd.s32 $0xFFFFFC00  }
0x12: {  	v0 =	vld [tilespmem:s31+$0x30]  }
0x13: {  	v3 =	vld [tilespmem:s31+$0x20]  }
0x14: {  	v1 =	vld [tilespmem:s31+$0x10]  }
0x15: {  	v4 =	vld [tilespmem:s31+$0x0]  }
0x16: {  	v5 =	vld [tilespmem:s31+$0xFFFFFFF0]  }
0x17: {  	v8 =	vld [tilespmem:s31+$0xFFFFFFE0]  }
0x18: {  	v6 =	vld [tilespmem:s31+$0xFFFFFFD0]  }
0x19: {  	s2 =	simm.s32 $0x440;
	v7 =	vld [tilespmem:s31+$0xFFFFFFC0]  }
0x1a: {  	v11 =	vld [tilespmem:s2+$0xFFFFFFC0]  }
0x1b: {  	v12 =	vld [tilespmem:s2+$0xFFFFFFD0]  }
0x1c: {  	v13 =	vld [tilespmem:s2+$0xFFFFFFE0]  }
0x1d: {  	v10 =	vld [tilespmem:s2+$0xFFFFFFF0]  }
0x1e: {  	v9 =	vld [tilespmem:s2+$0x0]  }
0x1f: {  	v2 =	vimm.s32 $0x0;
	vm0 =	veq.s32 v7, v11;
	v7 =	vld [tilespmem:s2+$0x10]  }
0x20: {  	v11 =	vsel vm0, $0x1, v2;
	vm0 =	veq.s32 v6, v12;
	v6 =	vld [tilespmem:s2+$0x20]  }
0x21: {  	s3 =	simm.s32 $0x0;
	s4 =	simm.s32 $0xC0;
	v11 =	vadd.s32 v11, v2;
	v12 =	vsel vm0, $0x1, v2;
	vm0 =	veq.s32 v8, v13;
	v8 =	vld [tilespmem:s2+$0x30]  }
.LBB2_1:
0x22: {  	v13 =	vld [tilespmem:s4+$0x30];
	v11 =	vadd.s32 v12, v11;
	v12 =	vsel vm0, $0x1, v2;
	vm0 =	veq.s32 v5, v10  }
0x23: {  	v10 =	vld [tilespmem:s4+$0x20];
	v5 =	vadd.s32 v12, v11;
	v11 =	vsel vm0, $0x1, v2;
	vm0 =	veq.s32 v4, v9  }
0x24: {  	v5 =	vadd.s32 v11, v5;
	v9 =	vsel vm0, $0x1, v2;
	vm0 =	veq.s32 v1, v7;
	v1 =	vld [tilespmem:s4+$0x10]  }
0x25: {  	v4 =	vld [tilespmem:s4+$0x0];
	v7 =	vadd.s32 v9, v5;
	v9 =	vsel vm0, $0x1, v2;
	vm0 =	veq.s32 v3, v6  }
0x26: {  	v5 =	vld [tilespmem:s4+$0xFFFFFFF0];
	v9 =	vadd.s32 v9, v7;
	v6 =	vsel vm0, $0x1, v2;
	vm0 =	veq.s32 v0, v8  }
0x27: {  	v8 =	vld [tilespmem:s4+$0xFFFFFFE0];
	v7 =	vadd.s32 v6, v9;
	v6 =	vsel vm0, $0x1, v2;
	v0 =	vmov v13  }
0x28: {  	v11 =	vld [tilespmem:s4+$0xFFFFFFD0];
	v12 =	vadd.s32 v6, v7;
	v3 =	vmov v10  }
0x29: {  	s2 =	sadd.s32 $0x80, s2;
	v6 =	vld [tilespmem:s4+$0xFFFFFFC0]  }
0x2a: {  	s3 =	sadd.s32 $0x8, s3;
	v7 =	vld [tilespmem:s2+$0xFFFFFFC0]  }
0x2b: {  	p1 =	slt.u32 s3, $0x38;
	v13 =	vld [tilespmem:s2+$0xFFFFFFD0]  }
0x2c: {  	v14 =	vld [tilespmem:s2+$0xFFFFFFE0]  }
.Ltmp0:
0x2d: {  	v10 =	vld [tilespmem:s2+$0xFFFFFFF0];
	(pc) =	sbr.rel @p1 .LBB2_1-.Ltmp0, $4  }
0x2e: {  	v9 =	vld [tilespmem:s2+$0x0]  }
0x2f: {  	vm0 =	veq.s32 v6, v7;
	v7 =	vld [tilespmem:s2+$0x10]  }
0x30: {  	v15 =	vsel vm0, $0x1, v2;
	vm0 =	veq.s32 v11, v13;
	v6 =	vld [tilespmem:s2+$0x20]  }
0x31: {  	s4 =	sadd.s32 $0x80, s4;
	v11 =	vadd.s32 v15, v12;
	v12 =	vsel vm0, $0x1, v2;
	vm0 =	veq.s32 v8, v14;
	v8 =	vld [tilespmem:s2+$0x30]  }
0x32: {  	v11 =	vadd.s32 v12, v11;
	v56 =	vsel vm0, $0x1, v2;
	vm11 =	veq.s32 v5, v10  }
0x33: {  	v57 =	vadd.s32 v56, v11;
	v10 =	vsel vm11, $0x1, v2;
	vm12 =	veq.s32 v4, v9  }
0x34: {  	v58 =	vadd.s32 v10, v57;
	v59 =	vsel vm12, $0x1, v2;
	vm13 =	veq.s32 v1, v7  }
0x35: {  	v60 =	vadd.s32 v59, v58;
	v61 =	vsel vm13, $0x1, v2;
	vm14 =	veq.s32 v3, v6  }
0x36: {  	v1 =	vadd.s32 v61, v60;
	v3 =	vsel vm14, $0x1, v2;
	vm15 =	veq.s32 v0, v8  }
0x37: {  	v62 =	vadd.s32 v3, v1;
	v63 =	vsel vm15, $0x1, v2  }
0x38: {  	v0 =	vadd.s32 v63, v62  }
0x39: {  	(v2sf) =	vpush v0, $0x0  }
0x3a: {  	(v2sf) =	vpush v0, $0x1  }
0x3b: {  	(v2sf) =	vpush v0, $0x2  }
0x3c: {  	(v2sf) =	vpush v0, $0x3  }
0x3d: {  	(v2sf) =	vpush v0, $0x4  }
0x3e: {  	(v2sf) =	vpush v0, $0x5  }
0x3f: {  	(v2sf) =	vpush v0, $0x6  }
0x40: {  	(v2sf) =	vpush v0, $0x7  }
0x41: {  	(v2sf) =	vpush v0, $0x8  }
0x42: {  	(v2sf) =	vpush v0, $0x9  }
0x43: {  	(v2sf) =	vpush v0, $0xA  }
0x44: {  	(v2sf) =	vpush v0, $0xB  }
0x45: {  	(v2sf) =	vpush v0, $0xC  }
0x46: {  	(v2sf) =	vpush v0, $0xD  }
0x47: {  	(v2sf) =	vpush v0, $0xE  }
0x48: {  	s2 =	spop (v2sf);
	(v2sf) =	vpush v0, $0xF  }
0x49: {  	s3 =	spop (v2sf)  }
0x4a: {  	s4 =	spop (v2sf);
	s2 =	sadd.s32 s3, s2  }
0x4b: {  	s16 =	spop (v2sf);
	s2 =	sadd.s32 s4, s2  }
0x4c: {  	s17 =	spop (v2sf);
	s2 =	sadd.s32 s16, s2  }
0x4d: {  	s18 =	spop (v2sf);
	s2 =	sadd.s32 s17, s2  }
0x4e: {  	s19 =	spop (v2sf);
	s2 =	sadd.s32 s18, s2  }
0x4f: {  	s20 =	spop (v2sf);
	s2 =	sadd.s32 s19, s2  }
0x50: {  	s21 =	spop (v2sf);
	s2 =	sadd.s32 s20, s2  }
0x51: {  	s22 =	spop (v2sf);
	s2 =	sadd.s32 s21, s2  }
0x52: {  	s23 =	spop (v2sf);
	s2 =	sadd.s32 s22, s2  }
0x53: {  	s24 =	spop (v2sf);
	s2 =	sadd.s32 s23, s2  }
0x54: {  	s25 =	spop (v2sf);
	s2 =	sadd.s32 s24, s2  }
0x55: {  	s26 =	spop (v2sf);
	s2 =	sadd.s32 s25, s2  }
0x56: {  	s28 =	spop (v2sf);
	s2 =	sadd.s32 s26, s2  }
0x57: {  	s30 =	simm.s32 $0x3;
	s2 =	sadd.s32 s28, s2;
	s29 =	spop (v2sf)  }
0x58: {  	s31 =	simm.s32 $0x0;
	[sflag:s30] =	ssyncset.done $0x0;
	s2 =	sadd.s32 s29, s2  }
0x59: {  	[smem:s31], [sflag:$0x3] =	smem.add.s32 s2  }
0x5a: {  	_ =	swait.done [sflag:s30]  }
0x5b: {  	[sflag:s30] =	ssyncset.s32 $0x0  }
0x5c: {  	[sflag:s30] =	ssyncset.done $0x0  }
0x5d: {  	[bflag:$0x0] =	sbarrier.arrive $0xFFFF  }
0x5e: {  	_ =	sfence.sel @p0 $0x180000  }
0x5f: {  	[bflag:$0x0] =	sbarrier.arrive @p0 $0xFFFF  }
0x60: {  	_ =	strace @p0 $0x90000047  }
0x61: {  	[bflag:$0x2] =	sbarrier.arrive @p0 $0xFFFF  }
0x62: {  	s2 =	sld @!p0 [smem:$0x0];
	_ =	sdelay $0x2  }
0x63: {  	v0 =	vmov @!p0 s2  }
0x64: {  	v0 =	vcvt.s32.f32 @!p0 v0;
	_ =	sdelay $0x1  }
0x65: {  	v0 =	vmul.f32 @!p0 $6.103515630e-05, v0;
	_ =	sdelay $0x1  }
0x66: {  	v0 =	vbroadcast @!p0 v0, $0x0;
	_ =	sdelay $0x1  }
0x67: {  	s3 =	simm.s32 @!p0 $0x800;
	s2 =	simm.s32 @!p0 $0x0;
	[tilespmem:$0x800] =	vst @!p0 v0  }
0x68: {  	[hbm4b:s1+s2] =	stream.linear.scatter @!p0 [tilespmem:s3], [sflag:$0x4], $0x80, $0x38;
	[tilespmem:$0x880] =	vst v63  }
0x69: {  	s1 =	simm.s32 @!p0 $0x4  }
0x6a: {  	_ =	swait.ge @!p0 [sflag:s1], $0x80  }
0x6b: {  	[sflag:s1] =	ssyncset.done @!p0 $0x0  }
0x6c: {  	[sflag:s1] =	ssyncadd.s32 @!p0 $0xFFFFFF80  }
0x6d: {  	_ =	sfence.sel @!p0 $0x180000  }
0x6e: {  	[bflag:$0x0] =	sbarrier.arrive @!p0 $0xFFFF  }
0x6f: {  	_ =	strace @!p0 $0x90000047  }
0x70: {  	s0 =	sadd.s32 @!p0 $0x100000, s0;
	[bflag:$0x2] =	sbarrier.arrive @!p0 $0xFFFF  }
0x71: {  	[sflag:s0] =	ssyncadd.tile.s32 @!p0 $0x1;
	_ =	shalt  }
.Lfunc_end2:
_tile_overlayer_lowered:
.L_overlay_start_2:
0x72: {  	(tag) =	ssettag $0x2  }
0x73: {  	s0 =	rddreg [dreg:$0x0];
	s2 =	stileid.u32  }
0x74: {  	s1 =	rddreg [dreg:$0x1];
	p0 =	sne.s32 s2, $0x0  }
0x75: {  	s3 =	rddreg [dreg:$0x2];
	[bflag:$0x3] =	sbarrier.arrive $0xFFFF;
	s2 =	simm.s32 @!p0 $0x1C03  }
0x76: {  	[timem:s3], [sflag:s2] =	dma.local @!p0 [hbm:s0], s1  }
0x77: {  	s0 =	simm.s32 @!p0 $0x3  }
0x78: {  	_ =	swait.ge @!p0 [sflag:s0], s1  }
0x79: {  	s1 =	ssub.s32 @!p0 $0x0, s1;
	[sflag:s0] =	ssyncset.done @!p0 $0x0  }
0x7a: {  	[sflag:s0] =	ssyncadd.s32 @!p0 s1  }
0x7b: {  	[bflag:$0x3] =	sbarrier.arrive $0xFFFF  }
0x7c: {  	_ =	shalt  }

</sc_bundles>
